<compile_context>
chip_gen: v7x
topology: tpu7x:2x2x1
jax: 0.10.2.dev20260603
libtpu: 0.0.44.dev20260713+nightly
codegen_flags: <defaults>
</compile_context>

<pallas_src>
import functools

import jax
import jax.numpy as jnp
from jax.experimental import pallas as pl
from jax.experimental.pallas import tpu as pltpu

_TAU1 = 1.0
_NUM_K = 3
_NUM_LABELS = 64


def _loss_body(a_ref, e_ref, labr_ref, labc_ref, out_ref, counts_ref, *,
               bm, batch):
    i = pl.program_id(0)
    lab_row = labr_ref[:, :]
    lab_col = labc_ref[:, :]

    @pl.when(i == 0)
    def _init():
        bins = jax.lax.broadcasted_iota(jnp.int32, (_NUM_LABELS, 1), 0)
        onehot_all = jnp.where(bins == lab_row, 1.0, 0.0)
        counts_ref[:, :] = jnp.sum(onehot_all, axis=1, keepdims=True)
        out_ref[:, :] = jnp.zeros((1, 1), jnp.float32)

    a = a_ref[:, :] * 0.5
    sim_h = jax.lax.dot_general(
        a, e_ref[:, :], (((1,), (1,)), ((), ())),
        preferred_element_type=jnp.float32,
    )

    pos_mask = lab_col == lab_row

    neg_fill = jnp.finfo(jnp.float32).min
    masked_neg = jnp.where(pos_mask, neg_fill, sim_h)
    max_neg_h = jnp.max(masked_neg, axis=1, keepdims=True)

    t = jnp.tanh(_TAU1 * (max_neg_h - sim_h))
    sum_t = jnp.sum(
        jnp.where(pos_mask, t, 0.0), axis=1, keepdims=True
    )

    bins_row = jax.lax.broadcasted_iota(jnp.int32, (1, _NUM_LABELS), 1)
    onehot_rows = jnp.where(lab_col == bins_row, 1.0, 0.0)
    cnt = jax.lax.dot_general(
        onehot_rows, counts_ref[:, :], (((1,), (0,)), ((), ())),
        preferred_element_type=jnp.float32,
    )

    partial = jnp.sum(
        0.5 - 0.5 * sum_t / cnt, axis=0, keepdims=True
    ) * (float(_NUM_K) / batch)

    out_ref[:, :] += partial


def kernel(embeddings, labels):
    perm = jnp.argsort(labels)
    labels = labels[perm]
    embeddings = embeddings[perm]
    batch, dim = embeddings.shape
    bm = 512
    grid = (batch // bm,)
    labels_row = labels.reshape(1, batch)
    labels_col = labels.reshape(batch, 1)
    out = pl.pallas_call(
        functools.partial(_loss_body, bm=bm, batch=batch),
        grid=grid,
        in_specs=[
            pl.BlockSpec((bm, dim), lambda i: (i, 0)),
            pl.BlockSpec((batch, dim), lambda i: (0, 0)),
            pl.BlockSpec((1, batch), lambda i: (0, 0)),
            pl.BlockSpec((bm, 1), lambda i: (i, 0)),
        ],
        out_specs=pl.BlockSpec((1, 1), lambda i: (0, 0)),
        out_shape=jax.ShapeDtypeStruct((1, 1), jnp.float32),
        scratch_shapes=[pltpu.VMEM((_NUM_LABELS, 1), jnp.float32)],
    )(embeddings, embeddings, labels_row, labels_col)
    return out[0, 0]

# --- scband reference (transcript-rebuilt; emitter-appended) ---
"""Pipeline reference for scband-recall-at-ksurrogate-loss-88364657148359 (READ-ONLY COPY).

The authoritative reference and input builder live on the scoring server;
editing this copy changes nothing except your own understanding.
"""

import jax, jax.numpy as jnp
import numpy as np

K_VALUES = [1, 5, 10]
TAU1 = 1.0
TAU2 = 0.01


def setup_inputs(seed: int = 0) -> dict:
    key = jax.random.key(seed)
    k1, k2 = jax.random.split(key)
    embeddings = jax.random.normal(k1, (4096, 128), dtype=jnp.float32)
    labels = jax.random.randint(k2, (4096,), 0, 64, dtype=jnp.int32)
    return {"embeddings": embeddings, "labels": labels}


def reference(embeddings, labels):
    # Faithful vectorized translation of the per-anchor python loop.
    # For each anchor i:
    #   positive mask = labels == labels[i]  (includes self)
    #   negative sims masked; top_k over negatives, then .max() of those values
    #   recall_at_k = sigmoid(tau1 * (top_k_neg_max - positive_sims))
    #   loss += 1 - recall_at_k.mean()  (mean over positives only)
    B = embeddings.shape[0]
    sim = jnp.matmul(embeddings, embeddings.T)  # [B, B]
    pos_mask = labels[:, None] == labels[None, :]  # [B, B]
    neg_mask = jnp.logical_not(pos_mask)
    neg_fill = jnp.finfo(sim.dtype).min
    masked_neg = jnp.where(neg_mask, sim, neg_fill)  # [B, B]
    pos_count = pos_mask.sum(axis=1).astype(sim.dtype)  # [B], >= 1 (self)
    loss = jnp.asarray(0.0, dtype=sim.dtype)
    for k in K_VALUES:
        topk_vals, _ = jax.lax.top_k(masked_neg, k)  # [B, k]
        max_neg = jnp.max(topk_vals, axis=1)  # [B]
        recall = jax.nn.sigmoid(TAU1 * (max_neg[:, None] - sim))  # [B, B]
        # mean over the positive entries of row i == masked mean
        mean_pos = jnp.sum(recall * pos_mask.astype(sim.dtype), axis=1) / pos_count
        loss = loss + jnp.sum(1.0 - mean_pos)
    return loss / B

if __name__ == "__main__":
    import jax
    _d = setup_inputs()
    print(jax.jit(kernel)(*tuple(_d.values())))

</pallas_src>

<mosaic_0001>
module attributes {stable_mosaic.version = 14 : i64} {
  func.func @_loss_body(%arg0: i32, %arg1: memref<512x128xf32, #tpu.memory_space<vmem>>, %arg2: memref<4096x128xf32, #tpu.memory_space<vmem>>, %arg3: memref<1x4096xi32, #tpu.memory_space<vmem>>, %arg4: memref<512x1xi32, #tpu.memory_space<vmem>>, %arg5: memref<1x1xf32, #tpu.memory_space<vmem>>, %arg6: memref<64x1xf32, #tpu.memory_space<vmem>>) attributes {dimension_semantics = [#tpu.dimension_semantics<arbitrary>], iteration_bounds = array<i64: 8>, scalar_prefetch = 0 : i64, scratch_operands = 1 : i64, tpu.core_type = #tpu.core_type<tc>, window_params = [{transform_indices = @transform_0, window_bounds = array<i64: 512, 128>}, {pipeline_mode = #tpu.pipeline_mode<synchronous>, transform_indices = @transform_1, window_bounds = array<i64: 4096, 128>}, {pipeline_mode = #tpu.pipeline_mode<synchronous>, transform_indices = @transform_2, window_bounds = array<i64: 1, 4096>}, {transform_indices = @transform_3, window_bounds = array<i64: 512, 1>}, {pipeline_mode = #tpu.pipeline_mode<synchronous>, transform_indices = @transform_4, window_bounds = array<i64: 1, 1>}]} {
    %get3A = arith.constant 0 : index
    %get3A_0 = arith.constant 0 : index
    %get3A_1 = vector.load %arg3[%get3A, %get3A_0] : memref<1x4096xi32, #tpu.memory_space<vmem>>, vector<1x4096xi32>
    %get3A_2 = arith.constant 0 : index
    %get3A_3 = arith.constant 0 : index
    %get3A_4 = vector.load %arg4[%get3A_2, %get3A_3] : memref<512x1xi32, #tpu.memory_space<vmem>>, vector<512x1xi32>
    %eq3A = arith.constant 0 : i32
    %eq3A_5 = arith.cmpi eq, %arg0, %eq3A : i32
    %convert_element_type3A = arith.extui %eq3A_5 : i1 to i32
    %cond3A = arith.constant 0 : i32
    %cond3A_6 = arith.cmpi ne, %convert_element_type3A, %cond3A : i32
    scf.if %cond3A_6 {
      %iota3A_60 = tpu.iota {dimensions = array<i32: 0>} : vector<64x1xi32>
      %eq3A_61 = vector.broadcast %iota3A_60 : vector<64x1xi32> to vector<64x4096xi32>
      %eq3A_62 = vector.broadcast %get3A_1 : vector<1x4096xi32> to vector<64x4096xi32>
      %eq3A_63 = arith.cmpi eq, %eq3A_61, %eq3A_62 : vector<64x4096xi32>
      %jit3A_64 = arith.constant 1.000000e+00 : f32
      %jit3A_65 = arith.constant 0.000000e+00 : f32
      %broadcast_in_dim3A_66 = vector.broadcast %jit3A_64 : f32 to vector<64x4096xf32>
      %broadcast_in_dim3A_67 = vector.broadcast %jit3A_65 : f32 to vector<64x4096xf32>
      %select_n3A_68 = arith.select %eq3A_63, %broadcast_in_dim3A_66, %broadcast_in_dim3A_67 : vector<64x4096xi1>, vector<64x4096xf32>
      %reduce_sum3A_69 = arith.constant dense<0.000000e+00> : vector<64xf32>
      %reduce_sum3A_70 = vector.multi_reduction <add>, %select_n3A_68, %reduce_sum3A_69 [1] : vector<64x4096xf32> to vector<64xf32>
      %broadcast_in_dim3A_71 = vector.shape_cast %reduce_sum3A_70 : vector<64xf32> to vector<64x1xf32>
      %swap3A_72 = arith.constant 0 : index
      %swap3A_73 = arith.constant 0 : index
      %swap3A_74 = vector.load %arg6[%swap3A_72, %swap3A_73] : memref<64x1xf32, #tpu.memory_space<vmem>>, vector<64x1xf32>
      tpu.vector_store %arg6[%swap3A_72, %swap3A_73], %broadcast_in_dim3A_71 {strides = array<i32>} : memref<64x1xf32, #tpu.memory_space<vmem>>, vector<64x1xf32>,
      %broadcast_in_dim3A_75 = arith.constant 0.000000e+00 : f32
      %broadcast_in_dim3A_76 = vector.broadcast %broadcast_in_dim3A_75 : f32 to vector<1x1xf32>
      %swap3A_77 = arith.constant 0 : index
      %swap3A_78 = arith.constant 0 : index
      %swap3A_79 = vector.load %arg5[%swap3A_77, %swap3A_78] : memref<1x1xf32, #tpu.memory_space<vmem>>, vector<1x1xf32>
      tpu.vector_store %arg5[%swap3A_77, %swap3A_78], %broadcast_in_dim3A_76 {strides = array<i32>} : memref<1x1xf32, #tpu.memory_space<vmem>>, vector<1x1xf32>,
    } else {
    }
    %get3A_7 = arith.constant 0 : index
    %get3A_8 = arith.constant 0 : index
    %get3A_9 = vector.load %arg1[%get3A_7, %get3A_8] : memref<512x128xf32, #tpu.memory_space<vmem>>, vector<512x128xf32>
    %mul3A = arith.constant 5.000000e-01 : f32
    %mul3A_10 = vector.broadcast %mul3A : f32 to vector<512x128xf32>
    %mul3A_11 = arith.mulf %get3A_9, %mul3A_10 : vector<512x128xf32>
    %get3A_12 = arith.constant 0 : index
    %get3A_13 = arith.constant 0 : index
    %get3A_14 = vector.load %arg2[%get3A_12, %get3A_13] : memref<4096x128xf32, #tpu.memory_space<vmem>>, vector<4096x128xf32>
    %dot_general3A = arith.constant dense<0.000000e+00> : vector<512x4096xf32>
    %dot_general3A_15 = tpu.matmul %mul3A_11, %get3A_14, %dot_general3A {dimension_numbers = #tpu.dot_dimension_numbers<[1], [1], [0], [0], [0, 0, 1, 0], [], []>, transpose_lhs_hint = false} : vector<512x128xf32>, vector<4096x128xf32>, vector<512x4096xf32> -> vector<512x4096xf32>
    %eq3A_16 = vector.broadcast %get3A_4 : vector<512x1xi32> to vector<512x4096xi32>
    %eq3A_17 = vector.broadcast %get3A_1 : vector<1x4096xi32> to vector<512x4096xi32>
    %eq3A_18 = arith.cmpi eq, %eq3A_16, %eq3A_17 : vector<512x4096xi32>
    %jit3A = arith.constant -3.40282347E+38 : f32
    %broadcast_in_dim3A = vector.broadcast %jit3A : f32 to vector<512x4096xf32>
    %select_n3A = arith.select %eq3A_18, %broadcast_in_dim3A, %dot_general3A_15 : vector<512x4096xi1>, vector<512x4096xf32>
    %reduce_max3A = arith.constant dense<0xFF800000> : vector<512xf32>
    %reduce_max3A_19 = vector.multi_reduction <maximumf>, %select_n3A, %reduce_max3A [1] : vector<512x4096xf32> to vector<512xf32>
    %broadcast_in_dim3A_20 = vector.shape_cast %reduce_max3A_19 : vector<512xf32> to vector<512x1xf32>
    %sub3A = vector.broadcast %broadcast_in_dim3A_20 : vector<512x1xf32> to vector<512x4096xf32>
    %sub3A_21 = arith.subf %sub3A, %dot_general3A_15 : vector<512x4096xf32>
    %mul3A_22 = arith.constant 1.000000e+00 : f32
    %mul3A_23 = vector.broadcast %mul3A_22 : f32 to vector<512x4096xf32>
    %mul3A_24 = arith.mulf %mul3A_23, %sub3A_21 : vector<512x4096xf32>
    %tanh3A = math.tanh %mul3A_24 : vector<512x4096xf32>
    %jit3A_25 = arith.constant 0.000000e+00 : f32
    %broadcast_in_dim3A_26 = vector.broadcast %jit3A_25 : f32 to vector<512x4096xf32>
    %select_n3A_27 = arith.select %eq3A_18, %tanh3A, %broadcast_in_dim3A_26 : vector<512x4096xi1>, vector<512x4096xf32>
    %reduce_sum3A = arith.constant dense<0.000000e+00> : vector<512xf32>
    %reduce_sum3A_28 = vector.multi_reduction <add>, %select_n3A_27, %reduce_sum3A [1] : vector<512x4096xf32> to vector<512xf32>
    %broadcast_in_dim3A_29 = vector.shape_cast %reduce_sum3A_28 : vector<512xf32> to vector<512x1xf32>
    %iota3A = tpu.iota {dimensions = array<i32: 1>} : vector<1x64xi32>
    %eq3A_30 = vector.broadcast %get3A_4 : vector<512x1xi32> to vector<512x64xi32>
    %eq3A_31 = vector.broadcast %iota3A : vector<1x64xi32> to vector<512x64xi32>
    %eq3A_32 = arith.cmpi eq, %eq3A_30, %eq3A_31 : vector<512x64xi32>
    %jit3A_33 = arith.constant 1.000000e+00 : f32
    %jit3A_34 = arith.constant 0.000000e+00 : f32
    %broadcast_in_dim3A_35 = vector.broadcast %jit3A_33 : f32 to vector<512x64xf32>
    %broadcast_in_dim3A_36 = vector.broadcast %jit3A_34 : f32 to vector<512x64xf32>
    %select_n3A_37 = arith.select %eq3A_32, %broadcast_in_dim3A_35, %broadcast_in_dim3A_36 : vector<512x64xi1>, vector<512x64xf32>
    %get3A_38 = arith.constant 0 : index
    %get3A_39 = arith.constant 0 : index
    %get3A_40 = vector.load %arg6[%get3A_38, %get3A_39] : memref<64x1xf32, #tpu.memory_space<vmem>>, vector<64x1xf32>
    %dot_general3A_41 = arith.constant dense<0.000000e+00> : vector<512x1xf32>
    %dot_general3A_42 = tpu.matmul %select_n3A_37, %get3A_40, %dot_general3A_41 {dimension_numbers = #tpu.dot_dimension_numbers<[1], [0], [0], [1], [0, 0, 1, 1], [], []>, transpose_lhs_hint = false} : vector<512x64xf32>, vector<64x1xf32>, vector<512x1xf32> -> vector<512x1xf32>
    %mul3A_43 = arith.constant 5.000000e-01 : f32
    %mul3A_44 = vector.broadcast %mul3A_43 : f32 to vector<512x1xf32>
    %mul3A_45 = arith.mulf %mul3A_44, %broadcast_in_dim3A_29 : vector<512x1xf32>
    %div3A = arith.divf %mul3A_45, %dot_general3A_42 : vector<512x1xf32>
    %sub3A_46 = arith.constant 5.000000e-01 : f32
    %sub3A_47 = vector.broadcast %sub3A_46 : f32 to vector<512x1xf32>
    %sub3A_48 = arith.subf %sub3A_47, %div3A : vector<512x1xf32>
    %reduce_sum3A_49 = arith.constant dense<0.000000e+00> : vector<1xf32>
    %reduce_sum3A_50 = vector.multi_reduction <add>, %sub3A_48, %reduce_sum3A_49 [0] : vector<512x1xf32> to vector<1xf32>
    %broadcast_in_dim3A_51 = vector.shape_cast %reduce_sum3A_50 : vector<1xf32> to vector<1x1xf32>
    %mul3A_52 = arith.constant 7.32421875E-4 : f32
    %mul3A_53 = vector.broadcast %mul3A_52 : f32 to vector<1x1xf32>
    %mul3A_54 = arith.mulf %broadcast_in_dim3A_51, %mul3A_53 : vector<1x1xf32>
    %get3A_55 = arith.constant 0 : index
    %get3A_56 = arith.constant 0 : index
    %get3A_57 = vector.load %arg5[%get3A_55, %get3A_56] : memref<1x1xf32, #tpu.memory_space<vmem>>, vector<1x1xf32>
    %add3A = arith.addf %get3A_57, %mul3A_54 : vector<1x1xf32>
    %swap3A = arith.constant 0 : index
    %swap3A_58 = arith.constant 0 : index
    %swap3A_59 = vector.load %arg5[%swap3A, %swap3A_58] : memref<1x1xf32, #tpu.memory_space<vmem>>, vector<1x1xf32>
    tpu.vector_store %arg5[%swap3A, %swap3A_58], %add3A {strides = array<i32>} : memref<1x1xf32, #tpu.memory_space<vmem>>, vector<1x1xf32>,
    return
  }
  func.func @transform_0(%arg0: i32) -> (i32, i32) {
    %c0_i32 = arith.constant 0 : i32
    %c0_i32_0 = arith.constant 0 : i32
    return %arg0, %c0_i32 : i32, i32
  }
  func.func @transform_1(%arg0: i32) -> (i32, i32) {
    %c0_i32 = arith.constant 0 : i32
    %c0_i32_0 = arith.constant 0 : i32
    %c0_i32_1 = arith.constant 0 : i32
    return %c0_i32, %c0_i32_0 : i32, i32
  }
  func.func @transform_2(%arg0: i32) -> (i32, i32) {
    %c0_i32 = arith.constant 0 : i32
    %c0_i32_0 = arith.constant 0 : i32
    %c0_i32_1 = arith.constant 0 : i32
    return %c0_i32, %c0_i32_0 : i32, i32
  }
  func.func @transform_3(%arg0: i32) -> (i32, i32) {
    %c0_i32 = arith.constant 0 : i32
    %c0_i32_0 = arith.constant 0 : i32
    return %arg0, %c0_i32 : i32, i32
  }
  func.func @transform_4(%arg0: i32) -> (i32, i32) {
    %c0_i32 = arith.constant 0 : i32
    %c0_i32_0 = arith.constant 0 : i32
    %c0_i32_1 = arith.constant 0 : i32
    return %c0_i32, %c0_i32_0 : i32, i32
  }
}

</mosaic_0001>

<sc_bundles>
// kernel: gather_offload_async_start.1
scs
__scs_entry_jumppad:
0x0: {  	(pc) =	sbr.rel $0x88, $3  }
0x1: {  	(tag) =	ssettag $0x0;
	lr =	simm.s32 $0x1  }
0x2: {  	[smem:$0x3F9F] =	sst lr;
	_ =	strace $0xD0000000  }
0x3: {  	_ = 	snop  }
0x4: {  	_ = 	snop  }
0x5: {  	_ = 	snop  }
0x6: {  	_ = 	snop  }
0x7: {  	_ = 	snop  }
__scs_overlays_trampoline_lowered:
0x8: {  	[smem:$0x3FAE] =	sst s0  }
0x9: {  	[smem:$0x3FAF] =	sst s1  }
0xa: {  	[smem:$0x3FB0] =	sst s2  }
0xb: {  	[smem:$0x3FB1] =	sst s3  }
0xc: {  	[smem:$0x3FB2] =	sst s4  }
0xd: {  	[smem:$0x3FB3] =	sst s5  }
0xe: {  	[smem:$0x3FB4] =	sst s6  }
0xf: {  	[smem:$0x3FB5] =	sst s7  }
0x10: {  	[smem:$0x3FB6] =	sst s8  }
0x11: {  	[smem:$0x3FB7] =	sst s9;
	s0 =	simm.s32 @!p0 $0x0  }
0x12: {  	s1 =	sld [smem:$0x3F9D];
	s0 =	simm.s32 @p0 $0x1  }
0x13: {  	[smem:$0x3FB8] =	sst s0;
	s0 =	simm.s32 @!p1 $0x0  }
0x14: {  	s2 =	sld [smem:$0x3F9C];
	s0 =	simm.s32 @p1 $0x1  }
0x15: {  	[smem:$0x3FB9] =	sst s0;
	s0 =	simm.s32 @!p2 $0x0  }
0x16: {  	s3 =	sld [smem:$0x3FDB];
	s0 =	simm.s32 @p2 $0x1  }
0x17: {  	s4 =	simm.s32 $0x1BF5;
	[smem:$0x3FBB] =	sst s0  }
0x18: {  	s0 =	sld [smem:$0x3F9E];
	_ =	swait.ge [sflag:s4], $0x0  }
0x19: {  	s7 =	sld [smem:$0x3F9F]  }
0x1a: {  	s8 =	sadd.s32 $0xFFFFE003, lr  }
0x1b: {  	s9 =	sadd.s32 $0xFFFFFEF7, lr;
	s5 =	simm.s32 $0xFFFFFFFF;
	p2 =	slt.u32 s8, $0xFFFFF086  }
0x1c: {  	p1 =	slt.u32 s9, $0xF7A;
	s5 =	simm.s32 @!p2 $0x0  }
0x1d: {  	s5 =	simm.s32 @p1 $0x1;
	p0 =	seq.s32 s7, s2  }
0x1e: {  	s7 =	smul.u32 @!p0 $0xF7A, s2;
	p2 =	seq.s32 @!p0 s5, $0x0  }
0x1f: {  	s9 =	smul.u32 $0xF7A, s1;
	s8 =	simm.s32 @!p0 $0x1BF5;
	p2 =	por !p2, p0  }
0x20: {  	[sflag:s8] =	ssyncset.s32 @!p0 $0xFFFFF086;
	s6 =	sadd.s32 @!p0 s3, s7;
	s7 =	simm.s32 @!p0 $0x108  }
0x21: {  	s3 =	sadd.s32 s3, s9;
	s6 =	sadd.s32 @!p0 $0x88, s6;
	s7 =	simm.s32 @p2 $0x1082  }
0x22: {  	[simem:s7], [sflag:s8] =	dma.local @!p0 [hbm:s6], $0xF7A  }
0x23: {  	s9 =	sor.u32 $0xD0000000, s2;
	s6 =	simm.s32 $0x108;
	_ =	swait.ge @!p0 [sflag:s8], $0x0  }
0x24: {  	s3 =	sadd.s32 $0x88, s3;
	s6 =	simm.s32 @!p1 $0x1082;
	[sflag:s4] =	ssyncset.s32 $0xFFFFF086  }
0x25: {  	[simem:s6], [sflag:s4] =	dma.local [hbm:s3], $0xF7A  }
0x26: {  	[smem:$0x3F9F] =	sst s1;
	(tag) =	ssettag s2;
	_ =	strace s9  }
0x27: {  	s1 =	sld [smem:$0x3FAF]  }
0x28: {  	s2 =	sld [smem:$0x3FB0]  }
0x29: {  	s4 =	sld [smem:$0x3FB2]  }
0x2a: {  	p0 =	seq.s32 s5, $0x0;
	s5 =	sld [smem:$0x3FB3]  }
0x2b: {  	s6 =	sld [smem:$0x3FB4]  }
0x2c: {  	s7 =	sld [smem:$0x3FB5]  }
0x2d: {  	s3 =	simm.s32 $0x108;
	s8 =	sld [smem:$0x3FB6]  }
0x2e: {  	s3 =	simm.s32 @!p0 $0x1082;
	s9 =	sld [smem:$0x3FB7]  }
0x2f: {  	lr =	sadd.s32 s0, s3;
	s0 =	sld [smem:$0x3FAE]  }
0x30: {  	s3 =	sld [smem:$0x3FB1]  }
0x31: {  	[smem:$0x3FBA] =	sst s10  }
0x32: {  	s10 =	sld [smem:$0x3FB8];
	_ =	sdelay $0x3  }
0x33: {  	p0 =	seq.s32 s10, $0x1;
	s10 =	sld [smem:$0x3FBA];
	_ =	sdelay $0x3  }
0x34: {  	[smem:$0x3FBA] =	sst s10  }
0x35: {  	s10 =	sld [smem:$0x3FB9];
	_ =	sdelay $0x3  }
0x36: {  	p1 =	seq.s32 s10, $0x1;
	s10 =	sld [smem:$0x3FBA];
	_ =	sdelay $0x3  }
0x37: {  	[smem:$0x3FBA] =	sst s10  }
0x38: {  	s10 =	sld [smem:$0x3FBB]  }
0x39: {  	_ = 	snop;
	(pc) =	sbr.ind lr, $3  }
0x3a: {  	_ = 	snop  }
0x3b: {  	_ = 	snop  }
0x3c: {  	p2 =	seq.s32 s10, $0x1;
	s10 =	sld [smem:$0x3FBA]  }
0x3d: {  	_ =	shalt  }
0x3e: {  	_ =	shalt  }
0x3f: {  	_ =	shalt  }
0x40: {  	_ =	shalt  }
0x41: {  	_ =	shalt  }
0x42: {  	_ =	shalt  }
0x43: {  	_ =	shalt  }
0x44: {  	_ =	shalt  }
0x45: {  	_ =	shalt  }
0x46: {  	_ =	shalt  }
0x47: {  	_ =	shalt  }
0x48: {  	_ =	shalt  }
0x49: {  	_ =	shalt  }
0x4a: {  	_ =	shalt  }
0x4b: {  	_ =	shalt  }
0x4c: {  	_ =	shalt  }
0x4d: {  	_ =	shalt  }
0x4e: {  	_ =	shalt  }
0x4f: {  	_ =	shalt  }
0x50: {  	_ =	shalt  }
0x51: {  	_ =	shalt  }
0x52: {  	_ =	shalt  }
0x53: {  	_ =	shalt  }
0x54: {  	_ =	shalt  }
0x55: {  	_ =	shalt  }
0x56: {  	_ =	shalt  }
0x57: {  	_ =	shalt  }
0x58: {  	_ =	shalt  }
0x59: {  	_ =	shalt  }
0x5a: {  	_ =	shalt  }
0x5b: {  	_ =	shalt  }
0x5c: {  	_ =	shalt  }
0x5d: {  	_ =	shalt  }
0x5e: {  	_ =	shalt  }
0x5f: {  	_ =	shalt  }
0x60: {  	_ =	shalt  }
0x61: {  	_ =	shalt  }
0x62: {  	_ =	shalt  }
0x63: {  	_ =	shalt  }
0x64: {  	_ =	shalt  }
0x65: {  	_ =	shalt  }
0x66: {  	_ =	shalt  }
0x67: {  	_ =	shalt  }
0x68: {  	_ =	shalt  }
0x69: {  	_ =	shalt  }
0x6a: {  	_ =	shalt  }
0x6b: {  	_ =	shalt  }
0x6c: {  	_ =	shalt  }
0x6d: {  	_ =	shalt  }
0x6e: {  	_ =	shalt  }
0x6f: {  	_ =	shalt  }
0x70: {  	_ =	shalt  }
0x71: {  	_ =	shalt  }
0x72: {  	_ =	shalt  }
0x73: {  	_ =	shalt  }
0x74: {  	_ =	shalt  }
0x75: {  	_ =	shalt  }
0x76: {  	_ =	shalt  }
0x77: {  	_ =	shalt  }
0x78: {  	_ =	shalt  }
0x79: {  	_ =	shalt  }
0x7a: {  	_ =	shalt  }
0x7b: {  	_ =	shalt  }
0x7c: {  	_ =	shalt  }
0x7d: {  	_ =	shalt  }
0x7e: {  	_ =	shalt  }
0x7f: {  	_ =	shalt  }
0x80: {  	_ =	shalt  }
0x81: {  	_ =	shalt  }
0x82: {  	_ =	shalt  }
0x83: {  	_ =	shalt  }
0x84: {  	_ =	shalt  }
0x85: {  	_ =	shalt  }
0x86: {  	_ =	shalt  }
0x87: {  	_ =	shalt  }
.Lfunc_end0:
.L_simem_size_0:
called_computation.1_lowered:
.L_overlay_start_0:
0x88: {  	s2 =	sld [smem:$0x3FD9]  }
0x89: {  	s3 =	sld [smem:$0x3FFE];
	_ =	sdelay $0x1  }
0x8a: {  	s1 =	srdreg.scid  }
0x8b: {  	s0 =	sand.u32 $0x1, s1  }
0x8c: {  	s17 =	sshll.u32 s0, $0xA;
	s2 =	sadd.s32 s3, s2  }
0x8d: {  	s2 =	sadd.s32 s2, s17  }
0x8e: {  	[smem:$0x3FC6] =	sst s2  }
0x8f: {  	_ = 	snop  }
0x90: {  	s18 =	sld [smem:$0x3FC9];
	(tm) =	ssettm $0x1  }
0x91: {  	s19 =	sld [smem:$0x3FFB];
	_ =	sdelay $0x3  }
0x92: {  	_ =	strace s19  }
0x93: {  	s2 =	sld [smem:$0x3FFC];
	_ =	sdelay $0x3  }
0x94: {  	_ =	strace s2  }
0x95: {  	s2 =	sld [smem:$0x3FFD];
	_ =	sdelay $0x3  }
0x96: {  	_ =	strace s2  }
0x97: {  	_ =	strace $0x8FFFFFFF  }
0x98: {  	s20 =	sld [smem:$0x3FDB];
	_ =	sdelay $0x1  }
0x99: {  	s4 =	simm.s32 $_scs_section_size  }
0x9a: {  	s5 =	simm.s32 $_size__tile_overlayer_lowered;
	s6 =	simm.s32 $_tile_overlayer_lowered  }
0x9b: {  	s7 =	simm.s32 $0x1BFF;
	s21 =	sshll.u32 s6, $0x1;
	s4 =	sadd.s32 s4, s20  }
0x9c: {  	s22 =	simm.s32 $0x0;
	s5 =	sshll.u32 s5, $0x1;
	s6 =	sadd.s32 s21, s4  }
0x9d: {  	[timem:s22], [sflag:s7] =	dma.local [hbm:s6], s5  }
0x9e: {  	_ =	swait.ge [sflag:s7], s5  }
0x9f: {  	s5 =	ssub.s32 $0x0, s5;
	[sflag:s7] =	ssyncset.done $0x0  }
0xa0: {  	[sflag:s7] =	ssyncadd.s32 s5;
	_ =	sdelay $0x1  }
0xa1: {  	s23 =	simm.s32 $0x1B8B  }
0xa2: {  	_ =	swait.ge [sflag:s23], $0x1  }
0xa3: {  	[sflag:s23] =	ssyncset.done $0x0  }
0xa4: {  	[sflag:s23] =	ssyncadd.s32 $0xFFFFFFFF  }
0xa5: {  	s5 =	sld [smem:$0x0]  }
0xa6: {  	s6 =	sand.u32 $0xFFFFFFFE, s1  }
0xa7: {  	p0 =	sne.s32 s1, s6  }
0xa8: {  	s6 =	sshll.u32 @p0 s6, $0xE  }
0xa9: {  	s6 =	sadd.s32 @p0 $0x11B8D, s6;
	s7 =	sshll.u32 @p0 s5, $0x11  }
0xaa: {  	s6 =	sor.u32 @p0 s7, s6  }
0xab: {  	[sflag:s6] =	ssyncadd.remote.s32 @p0 $0x1;
	_ =	sdelay $0x1  }
0xac: {  	s6 =	simm.s32 @p0 $0x1B8D  }
0xad: {  	_ =	swait.eq @p0 [sflag:s6], $0x1  }
0xae: {  	[sflag:s6] =	ssyncadd.s32 @p0 $0xFFFFFFFF  }
0xaf: {  	s7 =	sshll.u32 @!p0 s1, $0xE  }
0xb0: {  	s7 =	sor.u32 @!p0 $0x4000, s7;
	s6 =	simm.s32 @!p0 $0x1B8D  }
0xb1: {  	s5 =	sshll.u32 @!p0 s5, $0x11;
	s7 =	sadd.s32 @!p0 $0x11B8D, s7;
	_ =	swait.eq @!p0 [sflag:s6], $0x1  }
0xb2: {  	s5 =	sor.u32 @!p0 s5, s7;
	[sflag:s6] =	ssyncadd.s32 @!p0 $0xFFFFFFFF  }
0xb3: {  	s25 =	simm.s32 $0x1B8E;
	s24 =	sld [smem:$0x3FFE];
	[sflag:s5] =	ssyncadd.remote.s32 @!p0 $0x1  }
0xb4: {  	s26 =	simm.s32 $execute0_lowered;
	[smem:$0x3FD2] =	sst s25  }
0xb5: {  	s6 =	sshll.u32 s26, $0x1;
	_ =	strace $0x80000049;
	[dreg:$0x1] =	wrdreg $0xFFFFFFFF  }
0xb6: {  	s28 =	simm.s32 $_size_execute0_lowered;
	s4 =	sadd.s32 s4, s6;
	[dreg:$0x0] =	wrdreg $0x0  }
0xb7: {  	s6 =	sshll.u32 s28, $0x1;
	[dreg:$0x2] =	wrdreg s4  }
0xb8: {  	[dreg:$0x3] =	wrdreg s6  }
0xb9: {  	[dreg:$0x4] =	wrdreg $0xC0  }
0xba: {  	_ =	task [dreg:s22], $0x5FFFF  }
0xbb: {  	[dreg:$0x1] =	wrdreg $0xFFFFFFFF  }
0xbc: {  	[dreg:$0x0] =	wrdreg $0x60  }
0xbd: {  	[dreg:$0x2] =	wrdreg s18  }
0xbe: {  	[dreg:$0x3] =	wrdreg s24  }
0xbf: {  	[dreg:$0x4] =	wrdreg $0xA  }
0xc0: {  	_ =	task.clear_ibuf [dreg:s22], $0x5FFFF;
	_ =	strace $0x90000049  }
0xc1: {  	s29 =	simm.s32 $0xA;
	_ =	strace $0x8000004B  }
0xc2: {  	_ =	swait.ge [sflag:s29], $0x1  }
0xc3: {  	[sflag:s29] =	ssyncadd.s32 $0xFFFFFFFF  }
0xc4: {  	_ =	strace $0x9000004B  }
0xc5: {  	_ =	sfence  }
0xc6: {  	s30 =	sld [smem:$0x0];
	_ =	sdelay $0x2  }
0xc7: {  	s31 =	sshll.u32 s1, $0xD;
	s1 =	sshrl.u32 s1, $0x2  }
0xc8: {  	s4 =	sand.u32 $0x4000, s31;
	s1 =	sadd.s32 s1, s30  }
0xc9: {  	s0 =	sor.u32 s4, s0;
	s1 =	sshll.u32 s1, $0x11  }
0xca: {  	s0 =	sor.u32 s1, s0  }
0xcb: {  	s0 =	sadd.s32 $0x8F2B, s0  }
0xcc: {  	[sflag:s0] =	ssyncadd.remote.s32 $0x1  }
0xcd: {  	_ =	sfence.sel $0xFFFF  }
0xce: {  	[dreg:$0x0] =	wrdreg $0xFFFFFFFF;
	(pc) =	sbr.abs _section_cstart, $3  }
0xcf: {  	[dreg:$0x1] =	wrdreg $0xFFFFFFFF  }
0xd0: {  	_ =	task.clear_ibuf [dreg:s22], $0x2FFFF;
	_ =	strace $0x9FFFFFFF  }
0xd1: {  	(tm) =	ssettm $0x7FFFFFFF  }
tec
execute0_lowered:
.L_overlay_start_1:
0x0: {  	(tag) =	ssettag $0x1  }
0x1: {  	s2 =	rddreg [dreg:$0x0]  }
0x2: {  	s3 =	rddreg [dreg:$0x1]  }
0x3: {  	s0 =	rddreg [dreg:$0x2];
	s1 =	srdreg.scid;
	_ =	strace $0x8000004A  }
0x4: {  	s4 =	simm.s32 $0x1;
	s9 =	simm.s32 $0x3;
	s5 =	sshll.u32 s1, $0x4  }
.Ltmp0:
0x5: {  	s1 =	stileid.u32;
	s5 =	sand.u32 $0x10, s5;
	(pc) =	sbr.rel .LBB2_1-.Ltmp0, $4  }
0x6: {  	s12 =	simm.s32 $0x0;
	s10 =	simm.s32 $0x0;
	s6 =	sor.u32 s1, s5  }
0x7: {  	[sflag:s4] =	ssyncpa.u1 $0x0;
	s5 =	simm.s32 $0x2;
	s6 =	sshll.u32 s6, $0x7  }
0x8: {  	s7 =	sadd.s32 $0x400, s3;
	[sflag:s5] =	ssyncpa.u1 $0x0;
	s8 =	sadd.s32 $0x80, s6  }
0x9: {  	vm0 =	vmmov $0xff;
	vm1 =	vcmask $0x3F20;
	[sflag:s9] =	ssyncpa.u1 $0x0;
	s9 =	simm.s32 $0x80;
	s11 =	smov.u32 s6  }
.LBB2_9:
0xa: {  	p0 =	seq.s32 s10, $0x2  }
.Ltmp1:
0xb: {  	_ = 	snop;
	(pc) =	sbr.rel @p0 .LBB2_11-.Ltmp1, $1  }
0xc: {  	_ =	sdelay $0x3  }
.LBB2_10:
0xd: {  	s12 =	sadd.s32 $0x80, s11  }
0xe: {  	s13 =	smov.u32 s6;
	p0 =	slt.s32 s12, s8  }
0xf: {  	s13 =	smov.u32 @p0 s12  }
0x10: {  	s10 =	sadd.s32 $0x1, s10;
	s12 =	smov.u32 s11;
	s11 =	smov.u32 s13  }
.LBB2_1:
0x11: {  	p0 =	sne.s32 s10, $0x0  }
.Ltmp2:
0x12: {  	_ = 	snop;
	(pc) =	sbr.rel @!p0 .LBB2_2-.Ltmp2, $1  }
0x13: {  	_ =	sdelay $0x3  }
0x14: {  	s13 =	sand.u32 $0x1, s10  }
0x15: {  	p0 =	seq.s32 s13, $0x0  }
.Ltmp3:
0x16: {  	_ = 	snop;
	(pc) =	sbr.rel @p0 .LBB2_9-.Ltmp3, $1  }
0x17: {  	_ =	sdelay $0x3  }
0x18: {  	_ =	swait.ge [sflag:s5], $0x80  }
0x19: {  	[sflag:s5] =	ssyncset.done $0x0  }
0x1a: {  	s13 =	simm.s32 $0x0;
	[sflag:s5] =	ssyncadd.s32 $0xFFFFFF80  }
0x1b: {  	v0 =	vld.msk [tilespmem:s13+$0x80 ss:$0x1], $0xffff;
	_ =	sdelay $0x4  }
0x1c: {  	vm2 =	vgt.s32 v0, $0x0  }
0x1d: {  	v0 =	vnsel vm2, $0x0, v0  }
0x1e: {  	v0 =	vmin.u32 v0, $0xFFF  }
0x1f: {  	v0 =	vshll.u32 v0, $0x4;
	_ =	sdelay $0x3  }
0x20: {  	s13 =	simm.s32 $0x4100  }
0x21: {  	[tilespmem:s13], [sflag:$0x1] =	stream.indirect_vreg.gather [hbm:s2], $0x80, v0, vm0, $0x38;
	[tilespmem:$0x8100] =	vst v63  }
0x22: {  	s14 =	simm.s32 $0x4500;
	s31 =	simm.s32 $0x10  }
0x23: {  	[tilespmem:s14], [sflag:$0x1] =	stream.indirect_vreg.gather [hbm:s2], $0x80, v0, vm1, $0x38;
	[tilespmem:$0x8100] =	vst v63  }
0x24: {  	s14 =	simm.s32 $0x80;
	v0 =	vld.msk [tilespmem:s31+$0x80 ss:$0x1], $0xffff  }
.LBB2_5:
0x25: {  	p0 =	sne.s32 s14, $0x1C0;
	_ =	sdelay $0x4  }
0x26: {  	vm2 =	vgt.s32 v0, $0x0  }
0x27: {  	v0 =	vnsel vm2, $0x0, v0  }
0x28: {  	v0 =	vmin.u32 v0, $0xFFF  }
0x29: {  	v0 =	vshll.u32 v0, $0x4;
	_ =	sdelay $0x3  }
.Ltmp4:
0x2a: {  	s13 =	sadd.s32 $0x800, s13;
	(pc) =	sbr.rel @p0 .LBB2_5-.Ltmp4, $4  }
0x2b: {  	[tilespmem:s13], [sflag:$0x1] =	stream.indirect_vreg.gather [hbm:s2], $0x80, v0, vm0, $0x38;
	[tilespmem:$0x8100] =	vst v63  }
0x2c: {  	s15 =	sshra.s32 s14, $0x2;
	s16 =	sadd.s32 $0x400, s13  }
0x2d: {  	[tilespmem:s16], [sflag:$0x1] =	stream.indirect_vreg.gather [hbm:s2], $0x80, v0, vm1, $0x38;
	[tilespmem:$0x8100] =	vst v63  }
0x2e: {  	s14 =	sadd.s32 $0x40, s14;
	v0 =	vld.msk [tilespmem:s15+$0x80 ss:$0x1], $0xffff  }
0x2f: {  	_ =	sdelay $0x3  }
0x30: {  	vm2 =	vgt.s32 v0, $0x0  }
0x31: {  	v0 =	vnsel vm2, $0x0, v0  }
0x32: {  	v0 =	vmin.u32 v0, $0xFFF  }
0x33: {  	v0 =	vshll.u32 v0, $0x4;
	_ =	sdelay $0x3  }
0x34: {  	s13 =	sadd.s32 $0x800, s13  }
0x35: {  	[tilespmem:s13], [sflag:$0x1] =	stream.indirect_vreg.gather [hbm:s2], $0x80, v0, vm0, $0x38;
	[tilespmem:$0x8100] =	vst v63  }
0x36: {  	s13 =	sadd.s32 $0x400, s13  }
0x37: {  	[tilespmem:s13], [sflag:$0x1] =	stream.indirect_vreg.gather [hbm:s2], $0x80, v0, vm1, $0x38;
	[tilespmem:$0x8100] =	vst v63  }
0x38: {  	s12 =	sshll.u32 s12, $0x4;
	s14 =	simm.s32 $0x80;
	_ =	swait.ge [sflag:s4], $0x4000  }
0x39: {  	s15 =	simm.s32 $0x4500;
	s12 =	sadd.s32 s12, s7;
	[sflag:s4] =	ssyncset.done $0x0  }
0x3a: {  	s16 =	sadd.s32 $0x0, s12;
	s13 =	simm.s32 $0x4100;
	[sflag:s4] =	ssyncadd.s32 $0xFFFFC000  }
.LBB2_7:
0x3b: {  	[hbm:s16] =	stream.linear.scatter [tilespmem:s13], [sflag:$0x3], $0x400, $0x38;
	[tilespmem:$0x8100] =	vst v63  }
0x3c: {  	s16 =	smov.u32 s14;
	s13 =	smov.u32 s15;
	p0 =	sne.s32 s14, $0x780  }
.Ltmp5:
0x3d: {  	s14 =	sadd.s32 $0x80, s14;
	(pc) =	sbr.rel @p0 .LBB2_7-.Ltmp5, $2  }
0x3e: {  	_ =	sdelay $0x2  }
0x3f: {  	s15 =	sadd.s32 $0x400, s15;
	s16 =	sadd.s32 s16, s12  }
.Ltmp6:
0x40: {  	(pc) =	sbr.rel .LBB2_9-.Ltmp6, $2  }
0x41: {  	_ =	sdelay $0x2  }
0x42: {  	[hbm:s16] =	stream.linear.scatter [tilespmem:s13], [sflag:$0x3], $0x400, $0x38;
	[tilespmem:$0x8100] =	vst v63  }
.LBB2_2:
.Ltmp7:
0x43: {  	(pc) =	sbr.rel .LBB2_10-.Ltmp7, $4  }
0x44: {  	_ = 	snop  }
0x45: {  	s12 =	sshrl.u32 s11, $0x3  }
0x46: {  	s13 =	sand.u32 $0x7, s11;
	s12 =	sadd.s32 s3, s12  }
0x47: {  	[tilespmem:s9], [sflag:$0x2] =	stream.linear.gather [hbm4b:s12+s13], $0x80, $0x38;
	[tilespmem:$0x8100] =	vst v63  }
.LBB2_11:
0x48: {  	s2 =	simm.s32 $0x3  }
0x49: {  	_ =	swait.ge [sflag:s2], $0x4000  }
0x4a: {  	[sflag:s2] =	ssyncset.done $0x0  }
0x4b: {  	[sflag:s2] =	ssyncadd.s32 $0xFFFFC000  }
0x4c: {  	_ =	sfence.sel $0x180000  }
0x4d: {  	s3 =	simm.s32 $0x2;
	[bflag:$0x0] =	sbarrier.arrive $0xFFFF  }
0x4e: {  	[sflag:s3] =	ssyncpa.u1 $0x1  }
0x4f: {  	s31 =	simm.s32 $0x1;
	[sflag:s2] =	ssyncpa.u1 $0x1  }
0x50: {  	[sflag:s31] =	ssyncpa.u1 $0x1  }
0x51: {  	p0 =	sne.s32 s1, $0x0;
	_ =	strace $0x9000004A  }
0x52: {  	s0 =	sadd.s32 @!p0 $0x100000, s0;
	[bflag:$0x2] =	sbarrier.arrive $0xFFFF  }
0x53: {  	[sflag:s0] =	ssyncadd.tile.s32 @!p0 $0x1;
	_ =	shalt  }
.Lfunc_end2:
_tile_overlayer_lowered:
.L_overlay_start_2:
0x54: {  	(tag) =	ssettag $0x2  }
0x55: {  	s0 =	rddreg [dreg:$0x0];
	s2 =	stileid.u32  }
0x56: {  	s1 =	rddreg [dreg:$0x1];
	p0 =	sne.s32 s2, $0x0  }
0x57: {  	s3 =	rddreg [dreg:$0x2];
	[bflag:$0x3] =	sbarrier.arrive $0xFFFF;
	s2 =	simm.s32 @!p0 $0x1C01  }
0x58: {  	[timem:s3], [sflag:s2] =	dma.local @!p0 [hbm:s0], s1  }
0x59: {  	s0 =	simm.s32 @!p0 $0x1  }
0x5a: {  	_ =	swait.ge @!p0 [sflag:s0], s1  }
0x5b: {  	s1 =	ssub.s32 @!p0 $0x0, s1;
	[sflag:s0] =	ssyncset.done @!p0 $0x0  }
0x5c: {  	[sflag:s0] =	ssyncadd.s32 @!p0 s1  }
0x5d: {  	[bflag:$0x3] =	sbarrier.arrive $0xFFFF  }
0x5e: {  	_ =	shalt  }

// kernel: gather_offload_async_start
scs
__scs_entry_jumppad:
0x0: {  	(pc) =	sbr.rel $0x88, $3  }
0x1: {  	(tag) =	ssettag $0x0;
	lr =	simm.s32 $0x1  }
0x2: {  	[smem:$0x3F9F] =	sst lr;
	_ =	strace $0xD0000000  }
0x3: {  	_ = 	snop  }
0x4: {  	_ = 	snop  }
0x5: {  	_ = 	snop  }
0x6: {  	_ = 	snop  }
0x7: {  	_ = 	snop  }
__scs_overlays_trampoline_lowered:
0x8: {  	[smem:$0x3FAE] =	sst s0  }
0x9: {  	[smem:$0x3FAF] =	sst s1  }
0xa: {  	[smem:$0x3FB0] =	sst s2  }
0xb: {  	[smem:$0x3FB1] =	sst s3  }
0xc: {  	[smem:$0x3FB2] =	sst s4  }
0xd: {  	[smem:$0x3FB3] =	sst s5  }
0xe: {  	[smem:$0x3FB4] =	sst s6  }
0xf: {  	[smem:$0x3FB5] =	sst s7  }
0x10: {  	[smem:$0x3FB6] =	sst s8  }
0x11: {  	[smem:$0x3FB7] =	sst s9;
	s0 =	simm.s32 @!p0 $0x0  }
0x12: {  	s1 =	sld [smem:$0x3F9D];
	s0 =	simm.s32 @p0 $0x1  }
0x13: {  	[smem:$0x3FB8] =	sst s0;
	s0 =	simm.s32 @!p1 $0x0  }
0x14: {  	s2 =	sld [smem:$0x3F9C];
	s0 =	simm.s32 @p1 $0x1  }
0x15: {  	[smem:$0x3FB9] =	sst s0;
	s0 =	simm.s32 @!p2 $0x0  }
0x16: {  	s3 =	sld [smem:$0x3FDB];
	s0 =	simm.s32 @p2 $0x1  }
0x17: {  	s4 =	simm.s32 $0x1BF5;
	[smem:$0x3FBB] =	sst s0  }
0x18: {  	s0 =	sld [smem:$0x3F9E];
	_ =	swait.ge [sflag:s4], $0x0  }
0x19: {  	s7 =	sld [smem:$0x3F9F]  }
0x1a: {  	s8 =	sadd.s32 $0xFFFFE003, lr  }
0x1b: {  	s9 =	sadd.s32 $0xFFFFFEF7, lr;
	s5 =	simm.s32 $0xFFFFFFFF;
	p2 =	slt.u32 s8, $0xFFFFF086  }
0x1c: {  	p1 =	slt.u32 s9, $0xF7A;
	s5 =	simm.s32 @!p2 $0x0  }
0x1d: {  	s5 =	simm.s32 @p1 $0x1;
	p0 =	seq.s32 s7, s2  }
0x1e: {  	s7 =	smul.u32 @!p0 $0xF7A, s2;
	p2 =	seq.s32 @!p0 s5, $0x0  }
0x1f: {  	s9 =	smul.u32 $0xF7A, s1;
	s8 =	simm.s32 @!p0 $0x1BF5;
	p2 =	por !p2, p0  }
0x20: {  	[sflag:s8] =	ssyncset.s32 @!p0 $0xFFFFF086;
	s6 =	sadd.s32 @!p0 s3, s7;
	s7 =	simm.s32 @!p0 $0x108  }
0x21: {  	s3 =	sadd.s32 s3, s9;
	s6 =	sadd.s32 @!p0 $0x88, s6;
	s7 =	simm.s32 @p2 $0x1082  }
0x22: {  	[simem:s7], [sflag:s8] =	dma.local @!p0 [hbm:s6], $0xF7A  }
0x23: {  	s9 =	sor.u32 $0xD0000000, s2;
	s6 =	simm.s32 $0x108;
	_ =	swait.ge @!p0 [sflag:s8], $0x0  }
0x24: {  	s3 =	sadd.s32 $0x88, s3;
	s6 =	simm.s32 @!p1 $0x1082;
	[sflag:s4] =	ssyncset.s32 $0xFFFFF086  }
0x25: {  	[simem:s6], [sflag:s4] =	dma.local [hbm:s3], $0xF7A  }
0x26: {  	[smem:$0x3F9F] =	sst s1;
	(tag) =	ssettag s2;
	_ =	strace s9  }
0x27: {  	s1 =	sld [smem:$0x3FAF]  }
0x28: {  	s2 =	sld [smem:$0x3FB0]  }
0x29: {  	s4 =	sld [smem:$0x3FB2]  }
0x2a: {  	p0 =	seq.s32 s5, $0x0;
	s5 =	sld [smem:$0x3FB3]  }
0x2b: {  	s6 =	sld [smem:$0x3FB4]  }
0x2c: {  	s7 =	sld [smem:$0x3FB5]  }
0x2d: {  	s3 =	simm.s32 $0x108;
	s8 =	sld [smem:$0x3FB6]  }
0x2e: {  	s3 =	simm.s32 @!p0 $0x1082;
	s9 =	sld [smem:$0x3FB7]  }
0x2f: {  	lr =	sadd.s32 s0, s3;
	s0 =	sld [smem:$0x3FAE]  }
0x30: {  	s3 =	sld [smem:$0x3FB1]  }
0x31: {  	[smem:$0x3FBA] =	sst s10  }
0x32: {  	s10 =	sld [smem:$0x3FB8];
	_ =	sdelay $0x3  }
0x33: {  	p0 =	seq.s32 s10, $0x1;
	s10 =	sld [smem:$0x3FBA];
	_ =	sdelay $0x3  }
0x34: {  	[smem:$0x3FBA] =	sst s10  }
0x35: {  	s10 =	sld [smem:$0x3FB9];
	_ =	sdelay $0x3  }
0x36: {  	p1 =	seq.s32 s10, $0x1;
	s10 =	sld [smem:$0x3FBA];
	_ =	sdelay $0x3  }
0x37: {  	[smem:$0x3FBA] =	sst s10  }
0x38: {  	s10 =	sld [smem:$0x3FBB]  }
0x39: {  	_ = 	snop;
	(pc) =	sbr.ind lr, $3  }
0x3a: {  	_ = 	snop  }
0x3b: {  	_ = 	snop  }
0x3c: {  	p2 =	seq.s32 s10, $0x1;
	s10 =	sld [smem:$0x3FBA]  }
0x3d: {  	_ =	shalt  }
0x3e: {  	_ =	shalt  }
0x3f: {  	_ =	shalt  }
0x40: {  	_ =	shalt  }
0x41: {  	_ =	shalt  }
0x42: {  	_ =	shalt  }
0x43: {  	_ =	shalt  }
0x44: {  	_ =	shalt  }
0x45: {  	_ =	shalt  }
0x46: {  	_ =	shalt  }
0x47: {  	_ =	shalt  }
0x48: {  	_ =	shalt  }
0x49: {  	_ =	shalt  }
0x4a: {  	_ =	shalt  }
0x4b: {  	_ =	shalt  }
0x4c: {  	_ =	shalt  }
0x4d: {  	_ =	shalt  }
0x4e: {  	_ =	shalt  }
0x4f: {  	_ =	shalt  }
0x50: {  	_ =	shalt  }
0x51: {  	_ =	shalt  }
0x52: {  	_ =	shalt  }
0x53: {  	_ =	shalt  }
0x54: {  	_ =	shalt  }
0x55: {  	_ =	shalt  }
0x56: {  	_ =	shalt  }
0x57: {  	_ =	shalt  }
0x58: {  	_ =	shalt  }
0x59: {  	_ =	shalt  }
0x5a: {  	_ =	shalt  }
0x5b: {  	_ =	shalt  }
0x5c: {  	_ =	shalt  }
0x5d: {  	_ =	shalt  }
0x5e: {  	_ =	shalt  }
0x5f: {  	_ =	shalt  }
0x60: {  	_ =	shalt  }
0x61: {  	_ =	shalt  }
0x62: {  	_ =	shalt  }
0x63: {  	_ =	shalt  }
0x64: {  	_ =	shalt  }
0x65: {  	_ =	shalt  }
0x66: {  	_ =	shalt  }
0x67: {  	_ =	shalt  }
0x68: {  	_ =	shalt  }
0x69: {  	_ =	shalt  }
0x6a: {  	_ =	shalt  }
0x6b: {  	_ =	shalt  }
0x6c: {  	_ =	shalt  }
0x6d: {  	_ =	shalt  }
0x6e: {  	_ =	shalt  }
0x6f: {  	_ =	shalt  }
0x70: {  	_ =	shalt  }
0x71: {  	_ =	shalt  }
0x72: {  	_ =	shalt  }
0x73: {  	_ =	shalt  }
0x74: {  	_ =	shalt  }
0x75: {  	_ =	shalt  }
0x76: {  	_ =	shalt  }
0x77: {  	_ =	shalt  }
0x78: {  	_ =	shalt  }
0x79: {  	_ =	shalt  }
0x7a: {  	_ =	shalt  }
0x7b: {  	_ =	shalt  }
0x7c: {  	_ =	shalt  }
0x7d: {  	_ =	shalt  }
0x7e: {  	_ =	shalt  }
0x7f: {  	_ =	shalt  }
0x80: {  	_ =	shalt  }
0x81: {  	_ =	shalt  }
0x82: {  	_ =	shalt  }
0x83: {  	_ =	shalt  }
0x84: {  	_ =	shalt  }
0x85: {  	_ =	shalt  }
0x86: {  	_ =	shalt  }
0x87: {  	_ =	shalt  }
.Lfunc_end0:
.L_simem_size_0:
called_computation_lowered:
.L_overlay_start_0:
0x88: {  	s2 =	sld [smem:$0x3FD9]  }
0x89: {  	s3 =	sld [smem:$0x3FFE];
	_ =	sdelay $0x1  }
0x8a: {  	s1 =	srdreg.scid  }
0x8b: {  	s0 =	sand.u32 $0x1, s1  }
0x8c: {  	s17 =	sshll.u32 s0, $0xA;
	s2 =	sadd.s32 s3, s2  }
0x8d: {  	s2 =	sadd.s32 s2, s17  }
0x8e: {  	[smem:$0x3FC6] =	sst s2  }
0x8f: {  	_ = 	snop  }
0x90: {  	s2 =	sld [smem:$0x3FC8];
	(tm) =	ssettm $0x1  }
0x91: {  	s18 =	sld [smem:$0x3FFB];
	_ =	sdelay $0x3  }
0x92: {  	_ =	strace s18  }
0x93: {  	s3 =	sld [smem:$0x3FFC];
	_ =	sdelay $0x3  }
0x94: {  	_ =	strace s3  }
0x95: {  	s3 =	sld [smem:$0x3FFD];
	_ =	sdelay $0x3  }
0x96: {  	_ =	strace s3  }
0x97: {  	_ =	strace $0x8FFFFFFF  }
0x98: {  	s19 =	sld [smem:$0x3FDB];
	_ =	sdelay $0x1  }
0x99: {  	s4 =	simm.s32 $_scs_section_size  }
0x9a: {  	s5 =	simm.s32 $_size__tile_overlayer_lowered;
	s6 =	simm.s32 $_tile_overlayer_lowered  }
0x9b: {  	s22 =	simm.s32 $0x1BFF;
	s21 =	sshll.u32 s6, $0x1;
	s3 =	sadd.s32 s4, s19  }
0x9c: {  	s7 =	simm.s32 $0x0;
	s20 =	sshll.u32 s5, $0x1;
	s5 =	sadd.s32 s21, s3  }
0x9d: {  	[timem:s7], [sflag:s22] =	dma.local [hbm:s5], s20  }
0x9e: {  	_ =	swait.ge [sflag:s22], s20  }
0x9f: {  	s4 =	ssub.s32 $0x0, s20;
	[sflag:s22] =	ssyncset.done $0x0  }
0xa0: {  	[sflag:s22] =	ssyncadd.s32 s4;
	_ =	sdelay $0x1  }
0xa1: {  	s23 =	simm.s32 $0x1B8B  }
0xa2: {  	_ =	swait.ge [sflag:s23], $0x1  }
0xa3: {  	[sflag:s23] =	ssyncset.done $0x0  }
0xa4: {  	s25 =	simm.s32 $0x1B8E;
	s24 =	sld [smem:$0x3FFE];
	[sflag:s23] =	ssyncadd.s32 $0xFFFFFFFF  }
0xa5: {  	s26 =	simm.s32 $execute0_lowered;
	[smem:$0x3FD2] =	sst s25  }
0xa6: {  	s5 =	sshll.u32 s26, $0x1;
	_ =	strace $0x80000046;
	[dreg:$0x1] =	wrdreg $0xFFFFFFFF  }
0xa7: {  	s28 =	simm.s32 $_size_execute0_lowered;
	s3 =	sadd.s32 s3, s5;
	[dreg:$0x0] =	wrdreg $0x0  }
0xa8: {  	s5 =	sshll.u32 s28, $0x1;
	[dreg:$0x2] =	wrdreg s3  }
0xa9: {  	[dreg:$0x3] =	wrdreg s5  }
0xaa: {  	[dreg:$0x4] =	wrdreg $0xC0  }
0xab: {  	_ =	task [dreg:s7], $0x5FFFF  }
0xac: {  	[dreg:$0x1] =	wrdreg $0xFFFFFFFF  }
0xad: {  	[dreg:$0x0] =	wrdreg $0x60  }
0xae: {  	[dreg:$0x2] =	wrdreg s2  }
0xaf: {  	[dreg:$0x3] =	wrdreg s24  }
0xb0: {  	[dreg:$0x4] =	wrdreg $0x9  }
0xb1: {  	_ =	task.clear_ibuf [dreg:s7], $0x5FFFF;
	_ =	strace $0x90000046  }
0xb2: {  	s29 =	simm.s32 $0x9;
	_ =	strace $0x80000048  }
0xb3: {  	_ =	swait.ge [sflag:s29], $0x1  }
0xb4: {  	[sflag:s29] =	ssyncadd.s32 $0xFFFFFFFF  }
0xb5: {  	_ =	strace $0x90000048  }
0xb6: {  	_ =	sfence  }
0xb7: {  	s30 =	sld [smem:$0x0];
	_ =	sdelay $0x2  }
0xb8: {  	s31 =	sshll.u32 s1, $0xD;
	s1 =	sshrl.u32 s1, $0x2  }
0xb9: {  	s3 =	sand.u32 $0x4000, s31;
	s1 =	sadd.s32 s1, s30  }
0xba: {  	s0 =	sor.u32 s3, s0;
	s1 =	sshll.u32 s1, $0x11  }
0xbb: {  	s0 =	sor.u32 s1, s0  }
0xbc: {  	s0 =	sadd.s32 $0x8F2B, s0  }
0xbd: {  	[sflag:s0] =	ssyncadd.remote.s32 $0x1  }
0xbe: {  	_ =	sfence.sel $0xFFFF  }
0xbf: {  	[dreg:$0x0] =	wrdreg $0xFFFFFFFF;
	(pc) =	sbr.abs _section_cstart, $3  }
0xc0: {  	[dreg:$0x1] =	wrdreg $0xFFFFFFFF  }
0xc1: {  	_ =	task.clear_ibuf [dreg:s7], $0x2FFFF;
	_ =	strace $0x9FFFFFFF  }
0xc2: {  	(tm) =	ssettm $0x7FFFFFFF  }
0xc3: {  	_ =	shalt  }
tec
execute0_lowered:
.L_overlay_start_1:
0x0: {  	(tag) =	ssettag $0x1  }
0x1: {  	s1 =	srdreg.scid;
	s2 =	rddreg [dreg:$0x0]  }
0x2: {  	s0 =	stileid.u32;
	s3 =	rddreg [dreg:$0x1]  }
0x3: {  	s6 =	simm.s32 $0x1;
	s9 =	simm.s32 $0x1;
	s1 =	sshll.u32 s1, $0x6  }
0x4: {  	s10 =	simm.s32 $0x3;
	s4 =	sshll.u32 s0, $0x7;
	s5 =	sand.u32 $0x40, s1  }
0x5: {  	s13 =	simm.s32 $0x0;
	s12 =	simm.s32 $0x0;
	s4 =	sor.u32 s4, s5  }
0x6: {  	s1 =	rddreg [dreg:$0x2];
	_ =	strace $0x80000047;
	s8 =	ssub.s32 $0x1000, s4  }
.Ltmp0:
0x7: {  	s5 =	sadd.s32 $0x200, s3;
	s7 =	sand.u32 $0x7C0, s8;
	(pc) =	sbr.rel .LBB2_1-.Ltmp0, $4  }
0x8: {  	[sflag:s6] =	ssyncpa.u1 $0x0;
	s11 =	smov.u32 s4;
	p0 =	sne.s32 s7, $0x0  }
0x9: {  	s8 =	sshrl.u32 s8, $0xB;
	s7 =	simm.s32 $0x2;
	s9 =	simm.s32 @!p0 $0x0  }
0xa: {  	[sflag:s7] =	ssyncpa.u1 $0x0;
	p0 =	por $0x0, $0x0;
	s8 =	sadd.s32 s9, s8  }
0xb: {  	vm0 =	vmmov $0xffff;
	[sflag:s10] =	ssyncpa.u1 $0x0;
	s10 =	simm.s32 $0x0;
	s9 =	sadd.s32 $0x1, s8  }
.LBB2_4:
0xc: {  	v2 =	vnsel vm1, $0x0, v2  }
0xd: {  	vm1 =	vgt.s32 v0, $0x0;
	v2 =	vmin.u32 v2, $0xFFF  }
0xe: {  	v0 =	vnsel vm1, $0x0, v0  }
0xf: {  	v0 =	vmin.u32 v0, $0xFFF  }
0x10: {  	[tilespmem:s15], [sflag:$0x1] =	stream.indirect_vreg.gather [hbm4b:s2+s10], $0x1, v1, vm0, $0x4038;
	[tilespmem:$0x100] =	vst v63  }
0x11: {  	(ifvalue) =	ssetifvalue $0x7FFFFFFF  }
0x12: {  	[tilespmem:s16], [sflag:$0x1] =	stream.indirect_vreg.gather [hbm4b:s2+s10], $0x1, v2, vm0, $0x4038;
	[tilespmem:$0x100] =	vst v63  }
0x13: {  	s29 =	sadd.s32 $0x10, s16;
	(ifvalue) =	ssetifvalue $0x7FFFFFFF  }
0x14: {  	[tilespmem:s29], [sflag:$0x1] =	stream.indirect_vreg.gather [hbm4b:s2+s10], $0x1, v0, vm0, $0x4038;
	[tilespmem:$0x100] =	vst v63  }
0x15: {  	_ =	swait.ge [sflag:s6], $0x40  }
0x16: {  	s30 =	sshrl.u32 s13, $0x3;
	[sflag:s6] =	ssyncset.done $0x0  }
0x17: {  	s31 =	sand.u32 $0x7, s13;
	s15 =	sadd.s32 s5, s30;
	[sflag:s6] =	ssyncadd.s32 $0xFFFFFFC0  }
0x18: {  	[hbm4b:s15+s31] =	stream.linear.scatter [tilespmem:s14], [sflag:$0x3], $0x40, $0x38;
	[tilespmem:$0x100] =	vst v63  }
.LBB2_5:
0x19: {  	s15 =	sadd.s32 $0x800, s11  }
0x1a: {  	p2 =	sgt.s32 s15, $0xFFF  }
0x1b: {  	s15 =	smov.u32 @p2 s4;
	p2 =	sne.s32 s12, s9  }
.Ltmp1:
0x1c: {  	p1 =	slt.u32 s12, $0x2;
	(pc) =	sbr.rel @!p2 .LBB2_6-.Ltmp1, $4  }
0x1d: {  	s14 =	simm.s32 @!p1 $0x3  }
0x1e: {  	s16 =	sadd.s32 $0x1, s12;
	_ =	swait.ge @!p1 [sflag:s14], $0x40  }
0x1f: {  	s13 =	smov.u32 s11;
	p0 =	por !p0, !p0;
	[sflag:s14] =	ssyncset.done @!p1 $0x0  }
0x20: {  	s12 =	smov.u32 s16;
	s11 =	smov.u32 s15;
	[sflag:s14] =	ssyncadd.s32 @!p1 $0xFFFFFFC0  }
.LBB2_1:
0x21: {  	p1 =	sge.u32 s12, s8  }
0x22: {  	s14 =	sxor.u32 @!p1 $0xFFFFFFFF, s12  }
0x23: {  	s31 =	sadd.s32 $0xFFFFFFFF, s12;
	s15 =	sshrl.u32 @!p1 s11, $0x3;
	s14 =	sshll.u32 @!p1 s14, $0x6  }
0x24: {  	s16 =	sand.u32 @!p1 $0x7, s11;
	s15 =	sadd.s32 @!p1 s3, s15;
	s14 =	sand.u32 @!p1 $0x40, s14  }
0x25: {  	[tilespmem:s14], [sflag:$0x2] =	stream.linear.gather @!p1 [hbm4b:s15+s16], $0x40, $0x38;
	[tilespmem:$0x100] =	vst v63  }
0x26: {  	p1 =	sge.u32 s31, s8  }
.Ltmp2:
0x27: {  	_ = 	snop;
	(pc) =	sbr.rel @p1 .LBB2_5-.Ltmp2, $1  }
0x28: {  	_ =	sdelay $0x3  }
0x29: {  	s14 =	simm.s32 $0x1  }
0x2a: {  	_ =	swait.ge [sflag:s7], $0x40;
	s14 =	simm.s32 @!p0 $0x0  }
0x2b: {  	[sflag:s7] =	ssyncset.done $0x0;
	s14 =	sshll.u32 s14, $0x6  }
0x2c: {  	[sflag:s7] =	ssyncadd.s32 $0xFFFFFFC0;
	(ifvalue) =	ssetifvalue $0x7FFFFFFF;
	v0 =	vld.msk [tilespmem:s14+$0x0 ss:$0x1], $0xffff;
	_ =	sdelay $0x4  }
0x2d: {  	s15 =	sadd.s32 $0x10, s14;
	vm1 =	vgt.s32 v0, $0x0  }
0x2e: {  	v2 =	vld.msk [tilespmem:s15+$0x0 ss:$0x1], $0xffff;
	v1 =	vnsel vm1, $0x0, v0  }
0x2f: {  	v1 =	vmin.u32 v1, $0xFFF;
	_ =	sdelay $0x1  }
0x30: {  	s16 =	sshll.u32 s12, $0x6;
	s18 =	simm.s32 $0x20  }
0x31: {  	s16 =	sand.u32 $0x40, s16;
	s17 =	sadd.s32 $0x10, s15;
	s15 =	sor.u32 $0x80, s14  }
0x32: {  	s14 =	sor.u32 $0x80, s16;
	s16 =	sadd.s32 $0x10, s15;
	v0 =	vld.msk [tilespmem:s17+$0x0 ss:$0x1], $0xffff;
	vm1 =	vgt.s32 v2, $0x0;
	(ifvalue) =	ssetifvalue $0x7FFFFFFF  }
.LBB2_3:
0x33: {  	[tilespmem:s15], [sflag:$0x1] =	stream.indirect_vreg.gather [hbm4b:s2+s10], $0x1, v1, vm0, $0x4038;
	[tilespmem:$0x100] =	vst v63  }
0x34: {  	s18 =	sadd.s32 $0x10, s18  }
0x35: {  	v2 =	vnsel vm1, $0x0, v2;
	p1 =	slt.u32 s18, $0x30  }
.Ltmp3:
0x36: {  	s15 =	smov.u32 s16;
	v1 =	vmin.u32 v2, $0xFFF;
	(pc) =	sbr.rel @p1 .LBB2_3-.Ltmp3, $3  }
0x37: {  	_ =	sdelay $0x1  }
0x38: {  	s17 =	sadd.s32 $0x10, s17  }
0x39: {  	vm1 =	vgt.s32 v0, $0x0;
	s16 =	sadd.s32 $0x10, s16;
	v2 =	vmov v0;
	(ifvalue) =	ssetifvalue $0x7FFFFFFF;
	v0 =	vld.msk [tilespmem:s17+$0x0 ss:$0x1], $0xffff  }
.Ltmp4:
0x3a: {  	_ = 	snop;
	(pc) =	sbr.rel .LBB2_4-.Ltmp4, $1  }
0x3b: {  	_ =	sdelay $0x3  }
.LBB2_6:
0x3c: {  	_ =	sfence.sel $0x180000  }
0x3d: {  	s2 =	simm.s32 $0x2;
	[bflag:$0x0] =	sbarrier.arrive $0xFFFF  }
0x3e: {  	s30 =	simm.s32 $0x3;
	[sflag:s2] =	ssyncpa.u1 $0x1  }
0x3f: {  	s31 =	simm.s32 $0x1;
	[sflag:s30] =	ssyncpa.u1 $0x1  }
0x40: {  	[sflag:s31] =	ssyncpa.u1 $0x1  }
0x41: {  	p0 =	sne.s32 s0, $0x0;
	_ =	strace $0x90000047  }
0x42: {  	s0 =	sadd.s32 @!p0 $0x100000, s1;
	[bflag:$0x2] =	sbarrier.arrive $0xFFFF  }
0x43: {  	[sflag:s0] =	ssyncadd.tile.s32 @!p0 $0x1;
	_ =	shalt  }
.Lfunc_end2:
_tile_overlayer_lowered:
.L_overlay_start_2:
0x44: {  	(tag) =	ssettag $0x2  }
0x45: {  	s0 =	rddreg [dreg:$0x0];
	s2 =	stileid.u32  }
0x46: {  	s1 =	rddreg [dreg:$0x1];
	p0 =	sne.s32 s2, $0x0  }
0x47: {  	s3 =	rddreg [dreg:$0x2];
	[bflag:$0x3] =	sbarrier.arrive $0xFFFF;
	s2 =	simm.s32 @!p0 $0x1C01  }
0x48: {  	[timem:s3], [sflag:s2] =	dma.local @!p0 [hbm:s0], s1  }
0x49: {  	s0 =	simm.s32 @!p0 $0x1  }
0x4a: {  	_ =	swait.ge @!p0 [sflag:s0], s1  }
0x4b: {  	s1 =	ssub.s32 @!p0 $0x0, s1;
	[sflag:s0] =	ssyncset.done @!p0 $0x0  }
0x4c: {  	[sflag:s0] =	ssyncadd.s32 @!p0 s1  }
0x4d: {  	[bflag:$0x3] =	sbarrier.arrive $0xFFFF  }
0x4e: {  	_ =	shalt  }

</sc_bundles>
